<compile_context>
chip_gen: v7x
topology: tpu7x:2x2x1
jax: 0.10.2.dev20260603
libtpu: 0.0.44.dev20260713+nightly
codegen_flags: <defaults>
</compile_context>

<pallas_src>
import functools

import numpy as np
import jax
import jax.numpy as jnp
from jax import lax
from jax.experimental import pallas as pl
from jax.experimental.pallas import tpu as pltpu
from jax.experimental.pallas import tpu_sc as plsc

L = 7
NR = 16
NS = 32
RD = 16
DIM = 256
NA = NR * L
N_NODES = 10000
N_EDGES = 160000

NC = 2
NT = 16
NW = NC * NT

KG = 40

BE = 1000
BM = 640
NP = 10240
BN = 640

_ACT_SLOPE = 0.01


def _act(x):
    return jnp.where(x >= 0, x, _ACT_SLOPE * x)



_MESH = plsc.VectorSubcoreMesh(core_axis_name="c", subcore_axis_name="s")


@functools.partial(jax.jit, static_argnames=("dcols",))
def _sc_gather(table, idx, dcols):
    M = idx.shape[0]
    per_tile = M // NW
    nchunk = per_tile // KG

    @functools.partial(
        pl.kernel,
        mesh=_MESH,
        compiler_params=pltpu.CompilerParams(needs_layout_passes=False),
        out_type=jax.ShapeDtypeStruct((M, dcols), jnp.float32),
        scratch_types=[
            pltpu.VMEM((KG,), jnp.int32),
            pltpu.VMEM((KG, dcols), jnp.float32),
            pltpu.SemaphoreType.DMA,
        ],
    )
    def k(table_hbm, idx_hbm, out_hbm, idx_v, rows_v, sem):
        wid = lax.axis_index("s") * NC + lax.axis_index("c")
        base = wid * per_tile

        def body(i, carry):
            off = base + i * KG
            pltpu.sync_copy(idx_hbm.at[pl.ds(off, KG)], idx_v)
            pltpu.async_copy(table_hbm.at[idx_v], rows_v, sem).wait()
            pltpu.sync_copy(rows_v, out_hbm.at[pl.ds(off, KG)])
            return carry

        lax.fori_loop(0, nchunk, body, 0)

    return k(table, idx)


NHH = 5120
NHD = 5128
KSC = 128
KSD = 80


@jax.jit
def _sc_scatter_add(mt, idx, zeros_blk):
    nchunk = N_EDGES // KSC

    @functools.partial(
        pl.kernel,
        mesh=_MESH,
        compiler_params=pltpu.CompilerParams(needs_layout_passes=False),
        out_type=jax.ShapeDtypeStruct((DIM, NP), jnp.float32),
        scratch_types=[
            pltpu.VMEM((16, NHD), jnp.float32),
            pltpu.VMEM((KSC,), jnp.int32),
            pltpu.VMEM((16, KSC), jnp.float32),
        ],
    )
    def k(mt_hbm, idx_hbm, z_hbm, out_hbm, acc, idx_v, m_v):
        cid = lax.axis_index("c")
        sid = lax.axis_index("s")
        half = sid // 8
        cs = (sid % 8) * 2 + cid
        pltpu.sync_copy(z_hbm, acc)
        base = jnp.full((16,), half * NHH, jnp.int32)
        iota = lax.broadcasted_iota(jnp.int32, (16,), 0)

        def body(i, carry):
            off = i * KSC
            pltpu.sync_copy(idx_hbm.at[pl.ds(off, KSC)], idx_v)
            pltpu.sync_copy(
                mt_hbm.at[pl.ds(cs * 16, 16), pl.ds(off, KSC)], m_v)
            for j in range(KSC // 16):
                iv = idx_v[pl.ds(j * 16, 16)]
                li = iv - base
                ok = (li >= 0) & (li < NHH)
                li = jnp.where(ok, li, NHH)
                for c in range(16):
                    cc = jnp.full((16,), c, jnp.int32)
                    vals = m_v[c, pl.ds(j * 16, 16)]
                    plsc.addupdate_scatter(acc, [cc, li], vals)
            return carry

        lax.fori_loop(0, nchunk, body, 0)
        pltpu.sync_copy(
            acc.at[:, pl.ds(0, NHH)],
            out_hbm.at[pl.ds(cs * 16, 16), pl.ds(half * NHH, NHH)],
        )

    return k(mt, idx, zeros_blk)


@jax.jit
def _sc_degree(idx, zeros_blk):
    per_cs = N_EDGES // 16
    nchunk = per_cs // KSD

    @functools.partial(
        pl.kernel,
        mesh=_MESH,
        compiler_params=pltpu.CompilerParams(needs_layout_passes=False),
        out_type=jax.ShapeDtypeStruct((DIM, NP), jnp.float32),
        scratch_types=[
            pltpu.VMEM((16, NHD), jnp.float32),
            pltpu.VMEM((KSD,), jnp.int32),
        ],
    )
    def k(idx_hbm, z_hbm, out_hbm, acc, idx_v):
        cid = lax.axis_index("c")
        sid = lax.axis_index("s")
        half = sid // 8
        cs = (sid % 8) * 2 + cid
        pltpu.sync_copy(z_hbm, acc)
        base = jnp.full((16,), half * NHH, jnp.int32)

        ones16 = jnp.ones((16,), jnp.float32)
        zrow = jnp.zeros((16,), jnp.int32)

        def body(i, carry):
            off = cs * per_cs + i * KSD
            pltpu.sync_copy(idx_hbm.at[pl.ds(off, KSD)], idx_v)
            for j in range(KSD // 16):
                iv = idx_v[pl.ds(j * 16, 16)]
                li = iv - base
                ok = (li >= 0) & (li < NHH)
                li = jnp.where(ok, li, NHH)
                plsc.addupdate_scatter(acc, [zrow, li], ones16)
            return carry

        lax.fori_loop(0, nchunk, body, 0)
        pltpu.sync_copy(
            acc.at[:, pl.ds(0, NHH)],
            out_hbm.at[pl.ds(cs * 16, 16), pl.ds(half * NHH, NHH)],
        )

    return k(idx, zeros_blk)




def _cheb(cx, sy):
    cs, ss = [cx], [sy]
    for _ in range(L - 1):
        cs.append(cs[-1] * cx - ss[-1] * sy)
        ss.append(ss[-1] * cx + cs[-2] * sy)
    return cs, ss


def _edge_static_body(pr_ref, pc_ref, out_ref):
    ex = pr_ref[:, 0:1] - pc_ref[:, 0:1]
    ey = pr_ref[:, 1:2] - pc_ref[:, 1:2]
    r = jnp.sqrt(ex * ex + ey * ey)
    good = r > 0
    invr = jnp.where(good, 1.0 / jnp.where(good, r, 1.0), 0.0)
    c1 = ex * invr + (~good).astype(jnp.float32)
    s1 = ey * invr
    cs, ss = _cheb(c1, s1)
    xc = jnp.clip(r, 1e-6, None)
    nio = lax.broadcasted_iota(
        jnp.int32, (out_ref.shape[0], RD), 1).astype(jnp.float32) + 1.0
    de = jnp.sin(nio * (np.pi * xc)) / xc
    pad = jnp.zeros_like(r)
    out_ref[...] = jnp.concatenate(cs + ss + [r, pad] + [de], axis=1)


def _node_init_body(in_ref, wvt_ref, ws1_ref, bs1_ref, e7_ref, r7_ref,
                    xf_ref, cth_ref):
    u = in_ref[:, 0:4]
    vx = in_ref[:, 4:8]
    vy = in_ref[:, 8:12]
    bn = in_ref[:, 12:14]
    ib = in_ref[:, 14:15]
    yf = in_ref[:, 15:17]
    px = in_ref[:, 17:18]
    py = in_ref[:, 18:19]

    r = jnp.sqrt(px * px + py * py)
    good = r > 0
    invr = jnp.where(good, 1.0 / jnp.where(good, r, 1.0), 0.0)
    c1 = px * invr + (~good).astype(jnp.float32)
    s1 = py * invr
    cs, ss = _cheb(c1, s1)
    ct = jnp.concatenate(cs, axis=1)
    st = jnp.concatenate(ss, axis=1)
    pad = jnp.zeros_like(c1)
    cth_ref[...] = jnp.concatenate([ct, st, pad, pad], axis=1)

    vax = jnp.concatenate([vx, bn[:, 0:1], yf[:, 0:1]], axis=1)
    vay = jnp.concatenate([vy, bn[:, 1:2], yf[:, 1:2]], axis=1)
    wx = jnp.dot(vax, wvt_ref[...], preferred_element_type=jnp.float32)
    wy = jnp.dot(vay, wvt_ref[...], preferred_element_type=jnp.float32)
    cf = jnp.dot(ct, e7_ref[...], preferred_element_type=jnp.float32)
    sf = jnp.dot(st, e7_ref[...], preferred_element_type=jnp.float32)
    wxf = jnp.dot(wx, r7_ref[...], preferred_element_type=jnp.float32)
    wyf = jnp.dot(wy, r7_ref[...], preferred_element_type=jnp.float32)
    a0 = cf * wxf - sf * wyf
    b0 = sf * wxf + cf * wyf

    vn = jnp.sqrt(vx * vx + vy * vy)
    bnn = jnp.sqrt(bn[:, 0:1] ** 2 + bn[:, 1:2] ** 2)
    yfn = jnp.sqrt(yf[:, 0:1] ** 2 + yf[:, 1:2] ** 2)
    s_in = jnp.concatenate([u, vn, ib, bnn, yfn], axis=1)
    xs = _act(jnp.dot(s_in, ws1_ref[...], preferred_element_type=jnp.float32)
              + bs1_ref[...])
    xf_ref[...] = jnp.concatenate([xs, a0, b0], axis=1)


def _edge_mlp_body(g_ref, es_ref, w1_ref, b1_ref, w2_ref, b2_ref, e7_ref,
                   m_ref):
    es = es_ref[...]
    cf = jnp.dot(es[:, 0:L], e7_ref[...], preferred_element_type=jnp.float32)
    sf = jnp.dot(es[:, L:2 * L], e7_ref[...],
                 preferred_element_type=jnp.float32)
    g = g_ref[...]
    gs = g[:, :NS]
    ga = g[:, NS:NS + NA]
    gb = g[:, NS + NA:]
    fa = cf * ga - sf * gb
    fb = sf * ga + cf * gb
    m_in = jnp.concatenate([gs, fa, fb, es[:, 16:32]], axis=1)
    h = _act(jnp.dot(m_in, w1_ref[...], preferred_element_type=jnp.float32)
             + b1_ref[...])
    m = jnp.dot(h, w2_ref[...], preferred_element_type=jnp.float32) + b2_ref[...]
    ms = m[:, :NS]
    ma = m[:, NS:NS + NA]
    mb = m[:, NS + NA:]
    mm = jnp.concatenate(
        [ms, ma * cf + mb * sf, mb * cf - ma * sf], axis=1)
    m_ref[...] = mm.T


def _node_update_body(xf_ref, agg_ref, deg_ref, wus_ref, bus_ref, kur_ref,
                      out_ref):
    deg = jnp.sum(deg_ref[...], axis=0, keepdims=True)
    inv = 1.0 / jnp.maximum(deg, 1.0)
    agg = (agg_ref[...] * inv).T
    xf = xf_ref[...]
    xs = xf[:, :NS]
    xa = xf[:, NS:NS + NA]
    xb = xf[:, NS + NA:]
    ags = agg[:, :NS]
    aga = agg[:, NS:NS + NA]
    agb = agg[:, NS + NA:]
    xs2 = xs + _act(jnp.dot(ags, wus_ref[...],
                            preferred_element_type=jnp.float32) + bus_ref[...])
    xa2 = xa + jnp.dot(aga, kur_ref[...], preferred_element_type=jnp.float32)
    xb2 = xb + jnp.dot(agb, kur_ref[...], preferred_element_type=jnp.float32)
    out_ref[...] = jnp.concatenate([xs2, xa2, xb2], axis=1)


def _head_body(xf_ref, cth_ref, ul_ref, lng_ref, lnb_ref, lngr_ref,
               e7_ref, r7_ref, r7t_ref, wv1_ref, bv1_ref, wv2_ref, bv2_ref,
               wu1_ref, bu1_ref, wu2_ref, bu2_ref, o1_ref, o2_ref):
    xf = xf_ref[...]
    xs = xf[:, :NS]
    xa = xf[:, NS:NS + NA]
    xb = xf[:, NS + NA:]
    mu = jnp.mean(xs, axis=1, keepdims=True)
    xc = xs - mu
    var = jnp.mean(xc * xc, axis=1, keepdims=True)
    xsn = lng_ref[...] * xc * lax.rsqrt(var + 1e-5) + lnb_ref[...]

    rsum = jnp.dot(xa * xa + xb * xb, r7t_ref[...],
                   preferred_element_type=jnp.float32)
    gor = lngr_ref[...] * lax.rsqrt(rsum / (2.0 * L) + 1e-5)
    gof = jnp.dot(gor, r7_ref[...], preferred_element_type=jnp.float32)
    xa2 = xa * gof
    xb2 = xb * gof

    cth = cth_ref[...]
    cf = jnp.dot(cth[:, 0:L], e7_ref[...], preferred_element_type=jnp.float32)
    sf = jnp.dot(cth[:, L:2 * L], e7_ref[...],
                 preferred_element_type=jnp.float32)
    oa = cf * xa2 - sf * xb2
    ob = sf * xa2 + cf * xb2
    feat = jnp.concatenate([xsn, oa, ob], axis=1)

    hv = _act(jnp.dot(feat, wv1_ref[...], preferred_element_type=jnp.float32)
              + bv1_ref[...])
    ov = jnp.dot(hv, wv2_ref[...], preferred_element_type=jnp.float32) + bv2_ref[...]
    hu = _act(jnp.dot(feat, wu1_ref[...], preferred_element_type=jnp.float32)
              + bu1_ref[...])
    ou = jnp.dot(hu, wu2_ref[...], preferred_element_type=jnp.float32) + bu2_ref[...]

    ul = ul_ref[...]
    c1 = cth[:, 0:1]
    s1 = cth[:, L:L + 1]
    z6 = jnp.zeros((ov.shape[0], 6), jnp.float32)
    v0 = ov[:, 0:1] * c1 + ov[:, 1:2] * s1 + ul[:, 1:2]
    v1 = ov[:, 1:2] * c1 - ov[:, 0:1] * s1 + ul[:, 2:3]
    o2_ref[...] = jnp.concatenate([v0, v1, z6], axis=1)
    o1 = ou[:, 0:1] + ul[:, 0:1]
    z7 = jnp.zeros((ov.shape[0], 7), jnp.float32)
    o1_ref[...] = jnp.concatenate([o1, z7], axis=1)


def _full(shape):
    return pl.BlockSpec(shape, lambda i: (0, 0))


def _blk(bs, width):
    return pl.BlockSpec((bs, width), lambda i: (i, 0))




def kernel(u, v, boundary_norm, is_boundary, y_force, pos, params, edge_index):
    N = N_NODES
    E = N_EDGES
    f32 = jnp.float32

    posc = pos - pos.mean(axis=0)
    row = edge_index[0]
    col = edge_index[1]

    E7 = jnp.tile(jnp.eye(L, dtype=f32), (1, NR))
    R7 = jnp.repeat(jnp.eye(NR, dtype=f32), L, axis=1)
    R7T = R7.T

    layer_ws = []
    for b in params['blocks']:
        W1 = b['W1']
        W1r = W1[NS:NS + 2 * NA].reshape(NR, L, 2, DIM)
        W1p = jnp.concatenate([W1[:NS], W1r[:, :, 0].reshape(NA, DIM),
                               W1r[:, :, 1].reshape(NA, DIM),
                               W1[NS + 2 * NA:]], axis=0)
        W2 = b['W2']
        W2r = W2[:, NS:].reshape(DIM, NR, L, 2)
        W2p = jnp.concatenate([W2[:, :NS], W2r[..., 0].reshape(DIM, NA),
                               W2r[..., 1].reshape(DIM, NA)], axis=1)
        b2 = b['b2']
        b2r = b2[NS:].reshape(NR, L, 2)
        b2p = jnp.concatenate([b2[:NS], b2r[:, :, 0].ravel(),
                               b2r[:, :, 1].ravel()])
        Kur = jnp.kron(b['W_ur'].T, jnp.eye(L, dtype=f32))
        layer_ws.append((W1p, b['b1'][None, :], W2p, b2p[None, :],
                         b['W_us'], b['b_us'][None, :], Kur))

    pa = np.array([NS + r * 2 * L + k * 2 for r in range(NR) for k in range(L)])
    Wv1p = jnp.concatenate([params['Wv1'][:NS], params['Wv1'][pa],
                            params['Wv1'][pa + 1]], axis=0)
    Wu1p = jnp.concatenate([params['Wu1'][:NS], params['Wu1'][pa],
                            params['Wu1'][pa + 1]], axis=0)
    Wv2p = jnp.zeros((DIM * 3, 8), f32).at[:, :2].set(params['Wv2'])
    bv2p = jnp.zeros((1, 8), f32).at[0, :2].set(params['bv2'])
    Wu2p = jnp.zeros((DIM * 3, 8), f32).at[:, :1].set(params['Wu2'])
    bu2p = jnp.zeros((1, 8), f32).at[0, :1].set(params['bu2'])

    p128 = jnp.zeros((N, 128), f32).at[:, :2].set(posc)
    pe = _sc_gather(p128, jnp.concatenate([row, col]), 128)

    zacc = jnp.zeros((16, NHD), f32)
    degf = _sc_degree(row, zacc)

    ge = E // BE
    es = pl.pallas_call(
        _edge_static_body,
        grid=(ge,),
        in_specs=[pl.BlockSpec((BE, 128), lambda i: (i, 0)),
                  pl.BlockSpec((BE, 128), lambda i: (i + ge, 0))],
        out_specs=_blk(BE, 32),
        out_shape=jax.ShapeDtypeStruct((E, 32), f32),
    )(pe, pe)

    node_in = jnp.zeros((NP, 32), f32).at[:N, :19].set(jnp.concatenate(
        [u, v[:, :, 0], v[:, :, 1], boundary_norm, is_boundary, y_force,
         posc], axis=1))
    gn = NP // BN
    xf, cth = pl.pallas_call(
        _node_init_body,
        grid=(gn,),
        in_specs=[_blk(BN, 32), _full((6, NR)), _full((11, NS)),
                  _full((1, NS)), _full((L, NA)), _full((NR, NA))],
        out_specs=[_blk(BN, DIM), _blk(BN, 16)],
        out_shape=[jax.ShapeDtypeStruct((NP, DIM), f32),
                   jax.ShapeDtypeStruct((NP, 16), f32)],
    )(node_in, params['W_vec'].T, params['W_s1'], params['b_s1'][None, :],
      E7, R7)

    gm = E // BM
    for (W1p, b1, W2p, b2p, Wus, bus, Kur) in layer_ws:
        g = _sc_gather(xf, col, DIM)
        mt = pl.pallas_call(
            _edge_mlp_body,
            grid=(gm,),
            in_specs=[_blk(BM, DIM), _blk(BM, 32), _full((DIM + 16, DIM)),
                      _full((1, DIM)), _full((DIM, DIM)), _full((1, DIM)),
                      _full((L, NA))],
            out_specs=pl.BlockSpec((DIM, BM), lambda i: (0, i)),
            out_shape=jax.ShapeDtypeStruct((DIM, E), f32),
        )(g, es, W1p, b1, W2p, b2p, E7)
        agg = _sc_scatter_add(mt, row, zacc)
        xf = pl.pallas_call(
            _node_update_body,
            grid=(gn,),
            in_specs=[_blk(BN, DIM),
                      pl.BlockSpec((DIM, BN), lambda i: (0, i)),
                      pl.BlockSpec((DIM, BN), lambda i: (0, i)),
                      _full((NS, NS)), _full((1, NS)), _full((NA, NA))],
            out_specs=_blk(BN, DIM),
            out_shape=jax.ShapeDtypeStruct((NP, DIM), f32),
        )(xf, agg, degf, Wus, bus, Kur)

    ul = jnp.zeros((NP, 16), f32)
    ul = ul.at[:N, 0].set(u[:, -1]).at[:N, 1:3].set(v[:, -1, :])
    o1, o2 = pl.pallas_call(
        _head_body,
        grid=(gn,),
        in_specs=[_blk(BN, DIM), _blk(BN, 16), _blk(BN, 16),
                  _full((1, NS)), _full((1, NS)), _full((1, NR)),
                  _full((L, NA)), _full((NR, NA)), _full((NA, NR)),
                  _full((DIM, DIM * 3)), _full((1, DIM * 3)),
                  _full((DIM * 3, 8)), _full((1, 8)),
                  _full((DIM, DIM * 3)), _full((1, DIM * 3)),
                  _full((DIM * 3, 8)), _full((1, 8))],
        out_specs=[_blk(BN, 8), _blk(BN, 8)],
        out_shape=[jax.ShapeDtypeStruct((NP, 8), f32),
                   jax.ShapeDtypeStruct((NP, 8), f32)],
    )(xf, cth, ul, params['ln_g'][None, :], params['ln_b'][None, :],
      params['ln_gr'][None, :], E7, R7, R7T, Wv1p, params['bv1'][None, :],
      Wv2p, bv2p, Wu1p, params['bu1'][None, :], Wu2p, bu2p)

    return (o1[:N, 0], o2[:N, :2])

# --- scband reference (transcript-rebuilt; emitter-appended) ---
"""Pipeline reference for scband-so2-transformer-88656714925187 (READ-ONLY COPY).

The authoritative reference and input builder live on the scoring server;
editing this copy changes nothing except your own understanding.
"""

import jax, jax.numpy as jnp
import numpy as np

L_MAX = 7
NUM_REP = 16
R_DIM = 16
N_SCALARS = 32
N_LAYERS = 5
TIME = 4
DIM = N_SCALARS + NUM_REP * L_MAX * 2
N_NODES = 10000
N_EDGES = 160000


def get_rot(pos, L_max):
    theta = jnp.arctan2(pos[:, 1], pos[:, 0])
    k = jnp.arange(1, L_max + 1, dtype=pos.dtype)
    ang = theta[:, None] * k[None, :]
    c = jnp.cos(ang)
    s = jnp.sin(ang)
    return jnp.stack([jnp.stack([c, -s], -1), jnp.stack([s, c], -1)], -2)


def besel_linspace(d, start, end, number):
    n = jnp.arange(1, number + 1, dtype=d.dtype)
    x = jnp.clip(d, 1e-6, None)
    return jnp.sin(n[None, :] * jnp.pi * x[:, None] / (end - start)) / x[:, None]


def _lin_init(key, fan_in, fan_out):
    return jax.random.normal(key, (fan_in, fan_out), jnp.float32) / np.sqrt(fan_in)


def setup_inputs(seed: int = 0):
    key = jax.random.key(seed)
    it = iter(list(jax.random.split(key, 64)))
    u = jax.random.normal(next(it), (N_NODES, TIME), jnp.float32)
    v = jax.random.normal(next(it), (N_NODES, TIME, 2), jnp.float32)
    boundary_norm = jax.random.normal(next(it), (N_NODES, 2), jnp.float32)
    is_boundary = jax.random.uniform(next(it), (N_NODES, 1), jnp.float32)
    y_force = jax.random.normal(next(it), (N_NODES, 2), jnp.float32)
    pos = jax.random.normal(next(it), (N_NODES, 2), jnp.float32)
    edge_index = jax.random.randint(next(it), (2, N_EDGES), 0, N_NODES, dtype=jnp.int32)
    params = {}
    Vv = TIME + 2
    params['W_vec'] = jax.random.normal(next(it), (NUM_REP, Vv), jnp.float32) / np.sqrt(Vv)
    sc_in = 2 * TIME + 3
    params['W_s1'] = _lin_init(next(it), sc_in, N_SCALARS)
    params['b_s1'] = jnp.zeros((N_SCALARS,), jnp.float32)
    blocks = []
    for _ in range(N_LAYERS):
        b = {}
        b['W1'] = _lin_init(next(it), DIM + R_DIM, DIM)
        b['b1'] = jnp.zeros((DIM,), jnp.float32)
        b['W2'] = _lin_init(next(it), DIM, DIM)
        b['b2'] = jnp.zeros((DIM,), jnp.float32)
        b['W_us'] = _lin_init(next(it), N_SCALARS, N_SCALARS)
        b['b_us'] = jnp.zeros((N_SCALARS,), jnp.float32)
        b['W_ur'] = jax.random.normal(next(it), (NUM_REP, NUM_REP), jnp.float32) / np.sqrt(NUM_REP)
        blocks.append(b)
    params['blocks'] = blocks
    params['ln_g'] = jnp.ones((N_SCALARS,), jnp.float32)
    params['ln_b'] = jnp.zeros((N_SCALARS,), jnp.float32)
    params['ln_gr'] = jnp.ones((NUM_REP,), jnp.float32)
    params['Wv1'] = _lin_init(next(it), DIM, DIM * 3)
    params['bv1'] = jnp.zeros((DIM * 3,), jnp.float32)
    params['Wv2'] = _lin_init(next(it), DIM * 3, 2)
    params['bv2'] = jnp.zeros((2,), jnp.float32)
    params['Wu1'] = _lin_init(next(it), DIM, DIM * 3)
    params['bu1'] = jnp.zeros((DIM * 3,), jnp.float32)
    params['Wu2'] = _lin_init(next(it), DIM * 3, 1)
    params['bu2'] = jnp.zeros((1,), jnp.float32)
    return {'u': u, 'v': v, 'boundary_norm': boundary_norm, 'is_boundary': is_boundary,
            'y_force': y_force, 'pos': pos, 'params': params, 'edge_index': edge_index}


def _forward(u, v, bn, ib, yf, pos, params, edge_index):
    N = u.shape[0]
    act = jax.nn.leaky_relu
    pos_sg = jax.lax.stop_gradient(pos)
    posc = pos_sg - pos_sg.mean(axis=0)
    rot_theta = get_rot(posc, L_MAX)
    row = edge_index[0]
    col = edge_index[1]
    edge_vec = posc[row] - posc[col]
    rot = get_rot(edge_vec, L_MAX)
    distance = jnp.linalg.norm(edge_vec, axis=1)
    dist_emb = besel_linspace(distance, 0.0, 1.0, R_DIM)
    rot_inv = jnp.swapaxes(rot_theta, 2, 3)
    vecs = jnp.concatenate([v, bn[:, None, :], yf[:, None, :]], axis=1)
    xr = jnp.einsum('nvm,nkml->nvkl', vecs, rot_inv)
    x_rot = jnp.einsum('rv,nvkl->nrkl', params['W_vec'], xr).reshape(N, NUM_REP, L_MAX * 2)
    s_in = jnp.concatenate([u, jnp.linalg.norm(v, axis=-1), ib,
                            jnp.linalg.norm(bn, axis=1, keepdims=True),
                            jnp.linalg.norm(yf, axis=1, keepdims=True)], axis=1)
    x_scal = act(s_in @ params['W_s1'] + params['b_s1'])
    rot_inv_e = jnp.swapaxes(rot, 2, 3)
    ones_e = jnp.ones_like(distance)
    deg = jax.ops.segment_sum(ones_e, row, num_segments=N)
    inv = 1.0 / jnp.clip(deg, 1.0)
    for b in params['blocks']:
        nb = x_rot[col].reshape(-1, NUM_REP, L_MAX, 2)
        nb_f = jnp.einsum('erkm,ekml->erkl', nb, rot_inv_e).reshape(nb.shape[0], -1)
        m_in = jnp.concatenate([x_scal[col], nb_f, dist_emb], axis=1)
        h = act(m_in @ b['W1'] + b['b1'])
        m = h @ b['W2'] + b['b2']
        m_s = m[:, :N_SCALARS]
        m_r = jnp.einsum('erkm,ekml->erkl', m[:, N_SCALARS:].reshape(-1, NUM_REP, L_MAX, 2), rot).reshape(-1, NUM_REP, L_MAX * 2)
        agg_s = jax.ops.segment_sum(m_s, row, num_segments=N)
        agg_r = jax.ops.segment_sum(m_r, row, num_segments=N)
        x_scal = x_scal + act((agg_s * inv[:, None]) @ b['W_us'] + b['b_us'])
        x_rot = x_rot + jnp.einsum('pr,nrf->npf', b['W_ur'], agg_r * inv[:, None, None])
    mu = x_scal.mean(axis=1, keepdims=True)
    var = x_scal.var(axis=1, keepdims=True)
    x_scal = params['ln_g'] * (x_scal - mu) / jnp.sqrt(var + 1e-5) + params['ln_b']
    rms = jnp.sqrt(jnp.mean(x_rot ** 2, axis=2, keepdims=True) + 1e-5)
    x_rot = params['ln_gr'][None, :, None] * x_rot / rms
    rti = jnp.swapaxes(rot_theta, 2, 3)
    xr_out = jnp.einsum('njkm,nkml->njkl', x_rot.reshape(N, NUM_REP, L_MAX, 2), rti).reshape(N, -1)
    feat = jnp.concatenate([x_scal, xr_out], axis=1)
    hv = act(feat @ params['Wv1'] + params['bv1'])
    ov = hv @ params['Wv2'] + params['bv2']
    v_out = jnp.einsum('nm,nml->nl', ov, rot_theta[:, 0])
    hu = act(feat @ params['Wu1'] + params['bu1'])
    ou = hu @ params['Wu2'] + params['bu2']
    return (u[:, -1] + ou.reshape(-1), v_out + v[:, -1, :])


def reference(u, v, boundary_norm, is_boundary, y_force, pos, params, edge_index):
    return _forward(u, v, boundary_norm, is_boundary, y_force, pos, params, edge_index)

if __name__ == "__main__":
    import jax
    _d = setup_inputs()
    print(jax.jit(kernel)(*tuple(_d.values())))

</pallas_src>

<mosaic_0001>
#map = affine_map<(d0, d1) -> (0, 0)>
#map1 = affine_map<(d0, d1) -> (0)>
module attributes {stable_mosaic.version = 14 : i64} {
  func.func @k(%arg0: i32, %arg1: i32, %arg2: memref<10000x128xf32, #tpu.memory_space<hbm>>, %arg3: memref<320000xi32, #tpu.memory_space<hbm>>, %arg4: memref<320000x128xf32, #tpu.memory_space<hbm>>, %arg5: memref<40xi32, #tpu.memory_space<vmem>>, %arg6: memref<40x128xf32, #tpu.memory_space<vmem>>, %arg7: memref<!tpu.dma_semaphore, #tpu.memory_space<semaphore_mem>>) attributes {dimension_semantics = [#tpu.dimension_semantics<core_parallel>, #tpu.dimension_semantics<subcore_parallel>], iteration_bounds = array<i64: 2, 16>, scalar_prefetch = 0 : i64, scratch_operands = 3 : i64, tpu.core_type = #tpu.core_type<sc_vector_subcore>, window_params = [{transform_indices = #map}, {transform_indices = #map1}, {transform_indices = #map}]} {
    %mul3A = arith.constant 2 : i32
    %mul3A_0 = arith.muli %arg1, %mul3A : i32
    %add3A = arith.addi %mul3A_0, %arg0 : i32
    %mul3A_1 = arith.constant 10000 : i32
    %mul3A_2 = arith.muli %add3A, %mul3A_1 : i32
    %scan3A = arith.constant 0 : i32
    %scan3A_3 = arith.constant 0 : i32
    %scan3A_4 = arith.constant 250 : i32
    %scan3A_5 = arith.addi %scan3A_3, %scan3A_4 : i32
    %scan3A_6 = arith.constant 1 : i32
    scf.for %scan3A_8 = %scan3A_3 to %scan3A_5 step %scan3A_6  : i32 {
      %mul3A_9 = arith.constant 40 : i32
      %mul3A_10 = arith.muli %scan3A_8, %mul3A_9 : i32
      %add3A_11 = arith.addi %mul3A_2, %mul3A_10 : i32
      "tpu.region"() ({
        %run_scoped3A = tpu.sem_alloc : memref<!tpu.dma_semaphore, #tpu.memory_space<semaphore_mem>>
        %dma_start3A_16 = tpu.memref_slice %arg3[%add3A_11] : memref<320000xi32, #tpu.memory_space<hbm>> -> memref<40xi32, #tpu.memory_space<hbm>>
        %dma_start3A_17 = tpu.memref_slice %arg3[%add3A_11] : memref<320000xi32, #tpu.memory_space<hbm>> -> memref<40xi32, #tpu.memory_space<hbm>>
        tpu.enqueue_dma source(%dma_start3A_17 : memref<40xi32, #tpu.memory_space<hbm>>) target(%arg5 : memref<40xi32, #tpu.memory_space<vmem>>) target_semaphore(%run_scoped3A : memref<!tpu.dma_semaphore, #tpu.memory_space<semaphore_mem>>)
        %dma_wait3A_18 = tpu.memref_slice %arg3[%add3A_11] : memref<320000xi32, #tpu.memory_space<hbm>> -> memref<40xi32, #tpu.memory_space<hbm>>
        %dma_wait3A_19 = tpu.memref_slice %arg3[%add3A_11] : memref<320000xi32, #tpu.memory_space<hbm>> -> memref<40xi32, #tpu.memory_space<hbm>>
        tpu.wait_dma2 semaphore(%run_scoped3A : memref<!tpu.dma_semaphore, #tpu.memory_space<semaphore_mem>>) src(%dma_wait3A_19 : memref<40xi32, #tpu.memory_space<hbm>>) dst(%arg5 : memref<40xi32, #tpu.memory_space<vmem>>)
        tpu.yield
      }) : () -> ()
      %dma_start3A = arith.constant 0 : i32
      %dma_start3A_12 = arith.constant 0 : i32
      %dma_start3A_13 = tpu.memref_slice %arg2[%dma_start3A, %dma_start3A_12] : memref<10000x128xf32, #tpu.memory_space<hbm>> -> memref<10000x128xf32, #tpu.memory_space<hbm>>
      tpu.enqueue_indirect_dma source(%dma_start3A_13 : memref<10000x128xf32, #tpu.memory_space<hbm>>) target(%arg6 : memref<40x128xf32, #tpu.memory_space<vmem>>) offsets(%arg5 : memref<40xi32, #tpu.memory_space<vmem>>) semaphore(%arg7 : memref<!tpu.dma_semaphore, #tpu.memory_space<semaphore_mem>>)
      %dma_wait3A = arith.constant 0 : i32
      %dma_wait3A_14 = arith.constant 0 : i32
      %dma_wait3A_15 = tpu.memref_slice %arg2[%dma_wait3A, %dma_wait3A_14] : memref<10000x128xf32, #tpu.memory_space<hbm>> -> memref<10000x128xf32, #tpu.memory_space<hbm>>
      tpu.wait_indirect_dma semaphore(%arg7 : memref<!tpu.dma_semaphore, #tpu.memory_space<semaphore_mem>>) src(%dma_wait3A_15 : memref<10000x128xf32, #tpu.memory_space<hbm>>) dst(%arg6 : memref<40x128xf32, #tpu.memory_space<vmem>>)
      "tpu.region"() ({
        %run_scoped3A = tpu.sem_alloc : memref<!tpu.dma_semaphore, #tpu.memory_space<semaphore_mem>>
        %dma_start3A_16 = arith.constant 0 : i32
        %dma_start3A_17 = tpu.memref_slice %arg4[%add3A_11, %dma_start3A_16] : memref<320000x128xf32, #tpu.memory_space<hbm>> -> memref<40x128xf32, #tpu.memory_space<hbm>>
        %dma_start3A_18 = arith.constant 0 : i32
        %dma_start3A_19 = tpu.memref_slice %arg4[%add3A_11, %dma_start3A_18] : memref<320000x128xf32, #tpu.memory_space<hbm>> -> memref<40x128xf32, #tpu.memory_space<hbm>>
        tpu.enqueue_dma source(%arg6 : memref<40x128xf32, #tpu.memory_space<vmem>>) target(%dma_start3A_19 : memref<40x128xf32, #tpu.memory_space<hbm>>) target_semaphore(%run_scoped3A : memref<!tpu.dma_semaphore, #tpu.memory_space<semaphore_mem>>)
        %dma_wait3A_20 = arith.constant 0 : i32
        %dma_wait3A_21 = tpu.memref_slice %arg4[%add3A_11, %dma_wait3A_20] : memref<320000x128xf32, #tpu.memory_space<hbm>> -> memref<40x128xf32, #tpu.memory_space<hbm>>
        %dma_wait3A_22 = arith.constant 0 : i32
        %dma_wait3A_23 = tpu.memref_slice %arg4[%add3A_11, %dma_wait3A_22] : memref<320000x128xf32, #tpu.memory_space<hbm>> -> memref<40x128xf32, #tpu.memory_space<hbm>>
        tpu.wait_dma2 semaphore(%run_scoped3A : memref<!tpu.dma_semaphore, #tpu.memory_space<semaphore_mem>>) src(%arg6 : memref<40x128xf32, #tpu.memory_space<vmem>>) dst(%dma_wait3A_23 : memref<40x128xf32, #tpu.memory_space<hbm>>)
        tpu.yield
      }) : () -> ()
    }
    %scan3A_7 = arith.constant 250 : i32
    return
  }
}

</mosaic_0001>

<sc_bundles>
// kernel: _sc_gather.3.cloned.1.call-start
scs
__scs_entry_jumppad:
0x0: {  	(pc) =	sbr.rel $0x88, $3  }
0x1: {  	(tag) =	ssettag $0x0;
	lr =	simm.s32 $0x1  }
0x2: {  	[smem:$0x3F9F] =	sst lr;
	_ =	strace $0xD0000000  }
0x3: {  	_ = 	snop  }
0x4: {  	_ = 	snop  }
0x5: {  	_ = 	snop  }
0x6: {  	_ = 	snop  }
0x7: {  	_ = 	snop  }
__scs_overlays_trampoline_lowered:
0x8: {  	[smem:$0x3FAE] =	sst s0  }
0x9: {  	[smem:$0x3FAF] =	sst s1  }
0xa: {  	[smem:$0x3FB0] =	sst s2  }
0xb: {  	[smem:$0x3FB1] =	sst s3  }
0xc: {  	[smem:$0x3FB2] =	sst s4  }
0xd: {  	[smem:$0x3FB3] =	sst s5  }
0xe: {  	[smem:$0x3FB4] =	sst s6  }
0xf: {  	[smem:$0x3FB5] =	sst s7  }
0x10: {  	[smem:$0x3FB6] =	sst s8  }
0x11: {  	[smem:$0x3FB7] =	sst s9;
	s0 =	simm.s32 @!p0 $0x0  }
0x12: {  	s1 =	sld [smem:$0x3F9D];
	s0 =	simm.s32 @p0 $0x1  }
0x13: {  	[smem:$0x3FB8] =	sst s0;
	s0 =	simm.s32 @!p1 $0x0  }
0x14: {  	s2 =	sld [smem:$0x3F9C];
	s0 =	simm.s32 @p1 $0x1  }
0x15: {  	[smem:$0x3FB9] =	sst s0;
	s0 =	simm.s32 @!p2 $0x0  }
0x16: {  	s3 =	sld [smem:$0x3FDB];
	s0 =	simm.s32 @p2 $0x1  }
0x17: {  	s4 =	simm.s32 $0x1BF5;
	[smem:$0x3FBB] =	sst s0  }
0x18: {  	s0 =	sld [smem:$0x3F9E];
	_ =	swait.ge [sflag:s4], $0x0  }
0x19: {  	s7 =	sld [smem:$0x3F9F]  }
0x1a: {  	s8 =	sadd.s32 $0xFFFFE003, lr  }
0x1b: {  	s9 =	sadd.s32 $0xFFFFFEF7, lr;
	s5 =	simm.s32 $0xFFFFFFFF;
	p2 =	slt.u32 s8, $0xFFFFF086  }
0x1c: {  	p1 =	slt.u32 s9, $0xF7A;
	s5 =	simm.s32 @!p2 $0x0  }
0x1d: {  	s5 =	simm.s32 @p1 $0x1;
	p0 =	seq.s32 s7, s2  }
0x1e: {  	s7 =	smul.u32 @!p0 $0xF7A, s2;
	p2 =	seq.s32 @!p0 s5, $0x0  }
0x1f: {  	s9 =	smul.u32 $0xF7A, s1;
	s8 =	simm.s32 @!p0 $0x1BF5;
	p2 =	por !p2, p0  }
0x20: {  	[sflag:s8] =	ssyncset.s32 @!p0 $0xFFFFF086;
	s6 =	sadd.s32 @!p0 s3, s7;
	s7 =	simm.s32 @!p0 $0x108  }
0x21: {  	s3 =	sadd.s32 s3, s9;
	s6 =	sadd.s32 @!p0 $0x88, s6;
	s7 =	simm.s32 @p2 $0x1082  }
0x22: {  	[simem:s7], [sflag:s8] =	dma.local @!p0 [hbm:s6], $0xF7A  }
0x23: {  	s9 =	sor.u32 $0xD0000000, s2;
	s6 =	simm.s32 $0x108;
	_ =	swait.ge @!p0 [sflag:s8], $0x0  }
0x24: {  	s3 =	sadd.s32 $0x88, s3;
	s6 =	simm.s32 @!p1 $0x1082;
	[sflag:s4] =	ssyncset.s32 $0xFFFFF086  }
0x25: {  	[simem:s6], [sflag:s4] =	dma.local [hbm:s3], $0xF7A  }
0x26: {  	[smem:$0x3F9F] =	sst s1;
	(tag) =	ssettag s2;
	_ =	strace s9  }
0x27: {  	s1 =	sld [smem:$0x3FAF]  }
0x28: {  	s2 =	sld [smem:$0x3FB0]  }
0x29: {  	s4 =	sld [smem:$0x3FB2]  }
0x2a: {  	p0 =	seq.s32 s5, $0x0;
	s5 =	sld [smem:$0x3FB3]  }
0x2b: {  	s6 =	sld [smem:$0x3FB4]  }
0x2c: {  	s7 =	sld [smem:$0x3FB5]  }
0x2d: {  	s3 =	simm.s32 $0x108;
	s8 =	sld [smem:$0x3FB6]  }
0x2e: {  	s3 =	simm.s32 @!p0 $0x1082;
	s9 =	sld [smem:$0x3FB7]  }
0x2f: {  	lr =	sadd.s32 s0, s3;
	s0 =	sld [smem:$0x3FAE]  }
0x30: {  	s3 =	sld [smem:$0x3FB1]  }
0x31: {  	[smem:$0x3FBA] =	sst s10  }
0x32: {  	s10 =	sld [smem:$0x3FB8];
	_ =	sdelay $0x3  }
0x33: {  	p0 =	seq.s32 s10, $0x1;
	s10 =	sld [smem:$0x3FBA];
	_ =	sdelay $0x3  }
0x34: {  	[smem:$0x3FBA] =	sst s10  }
0x35: {  	s10 =	sld [smem:$0x3FB9];
	_ =	sdelay $0x3  }
0x36: {  	p1 =	seq.s32 s10, $0x1;
	s10 =	sld [smem:$0x3FBA];
	_ =	sdelay $0x3  }
0x37: {  	[smem:$0x3FBA] =	sst s10  }
0x38: {  	s10 =	sld [smem:$0x3FBB]  }
0x39: {  	_ = 	snop;
	(pc) =	sbr.ind lr, $3  }
0x3a: {  	_ = 	snop  }
0x3b: {  	_ = 	snop  }
0x3c: {  	p2 =	seq.s32 s10, $0x1;
	s10 =	sld [smem:$0x3FBA]  }
0x3d: {  	_ =	shalt  }
0x3e: {  	_ =	shalt  }
0x3f: {  	_ =	shalt  }
0x40: {  	_ =	shalt  }
0x41: {  	_ =	shalt  }
0x42: {  	_ =	shalt  }
0x43: {  	_ =	shalt  }
0x44: {  	_ =	shalt  }
0x45: {  	_ =	shalt  }
0x46: {  	_ =	shalt  }
0x47: {  	_ =	shalt  }
0x48: {  	_ =	shalt  }
0x49: {  	_ =	shalt  }
0x4a: {  	_ =	shalt  }
0x4b: {  	_ =	shalt  }
0x4c: {  	_ =	shalt  }
0x4d: {  	_ =	shalt  }
0x4e: {  	_ =	shalt  }
0x4f: {  	_ =	shalt  }
0x50: {  	_ =	shalt  }
0x51: {  	_ =	shalt  }
0x52: {  	_ =	shalt  }
0x53: {  	_ =	shalt  }
0x54: {  	_ =	shalt  }
0x55: {  	_ =	shalt  }
0x56: {  	_ =	shalt  }
0x57: {  	_ =	shalt  }
0x58: {  	_ =	shalt  }
0x59: {  	_ =	shalt  }
0x5a: {  	_ =	shalt  }
0x5b: {  	_ =	shalt  }
0x5c: {  	_ =	shalt  }
0x5d: {  	_ =	shalt  }
0x5e: {  	_ =	shalt  }
0x5f: {  	_ =	shalt  }
0x60: {  	_ =	shalt  }
0x61: {  	_ =	shalt  }
0x62: {  	_ =	shalt  }
0x63: {  	_ =	shalt  }
0x64: {  	_ =	shalt  }
0x65: {  	_ =	shalt  }
0x66: {  	_ =	shalt  }
0x67: {  	_ =	shalt  }
0x68: {  	_ =	shalt  }
0x69: {  	_ =	shalt  }
0x6a: {  	_ =	shalt  }
0x6b: {  	_ =	shalt  }
0x6c: {  	_ =	shalt  }
0x6d: {  	_ =	shalt  }
0x6e: {  	_ =	shalt  }
0x6f: {  	_ =	shalt  }
0x70: {  	_ =	shalt  }
0x71: {  	_ =	shalt  }
0x72: {  	_ =	shalt  }
0x73: {  	_ =	shalt  }
0x74: {  	_ =	shalt  }
0x75: {  	_ =	shalt  }
0x76: {  	_ =	shalt  }
0x77: {  	_ =	shalt  }
0x78: {  	_ =	shalt  }
0x79: {  	_ =	shalt  }
0x7a: {  	_ =	shalt  }
0x7b: {  	_ =	shalt  }
0x7c: {  	_ =	shalt  }
0x7d: {  	_ =	shalt  }
0x7e: {  	_ =	shalt  }
0x7f: {  	_ =	shalt  }
0x80: {  	_ =	shalt  }
0x81: {  	_ =	shalt  }
0x82: {  	_ =	shalt  }
0x83: {  	_ =	shalt  }
0x84: {  	_ =	shalt  }
0x85: {  	_ =	shalt  }
0x86: {  	_ =	shalt  }
0x87: {  	_ =	shalt  }
.Lfunc_end0:
.L_simem_size_0:
called_computation_lowered:
.L_overlay_start_0:
0x88: {  	s2 =	sld [smem:$0x3FD9]  }
0x89: {  	s3 =	sld [smem:$0x3FFE];
	_ =	sdelay $0x1  }
0x8a: {  	s1 =	srdreg.scid  }
0x8b: {  	s0 =	sand.u32 $0x1, s1  }
0x8c: {  	s18 =	sshll.u32 s0, $0xA;
	s2 =	sadd.s32 s3, s2  }
0x8d: {  	s2 =	sadd.s32 s2, s18  }
0x8e: {  	[smem:$0x3FC6] =	sst s2  }
0x8f: {  	_ = 	snop  }
0x90: {  	s2 =	sld [smem:$0x3FC9]  }
0x91: {  	s19 =	sld [smem:$0x3FC8]  }
0x92: {  	s4 =	sld [smem:$0x3FD0];
	(tm) =	ssettm $0x1  }
0x93: {  	s5 =	sld [smem:$0x3FFB];
	_ =	sdelay $0x3  }
0x94: {  	_ =	strace s5  }
0x95: {  	s5 =	sld [smem:$0x3FFC];
	_ =	sdelay $0x3  }
0x96: {  	_ =	strace s5  }
0x97: {  	s5 =	sld [smem:$0x3FFD];
	_ =	sdelay $0x3  }
0x98: {  	_ =	strace s5  }
0x99: {  	_ =	strace $0x8FFFFFFF  }
0x9a: {  	s20 =	sld [smem:$0x3FDB];
	_ =	sdelay $0x1  }
0x9b: {  	s6 =	simm.s32 $_scs_section_size  }
0x9c: {  	s7 =	simm.s32 $_size__tile_overlayer_lowered;
	s8 =	simm.s32 $_tile_overlayer_lowered  }
0x9d: {  	s23 =	simm.s32 $0x1BFF;
	s22 =	sshll.u32 s8, $0x1;
	s5 =	sadd.s32 s6, s20  }
0x9e: {  	s9 =	simm.s32 $0x0;
	s21 =	sshll.u32 s7, $0x1;
	s7 =	sadd.s32 s22, s5  }
0x9f: {  	[timem:s9], [sflag:s23] =	dma.local [hbm:s7], s21  }
0xa0: {  	_ =	swait.ge [sflag:s23], s21  }
0xa1: {  	s6 =	ssub.s32 $0x0, s21;
	[sflag:s23] =	ssyncset.done $0x0  }
0xa2: {  	[sflag:s23] =	ssyncadd.s32 s6;
	_ =	sdelay $0x1  }
0xa3: {  	s24 =	simm.s32 $0x1B8B  }
0xa4: {  	_ =	swait.ge [sflag:s24], $0x1  }
0xa5: {  	[sflag:s24] =	ssyncset.done $0x0  }
0xa6: {  	s25 =	simm.s32 $0x1B8E;
	[sflag:s24] =	ssyncadd.s32 $0xFFFFFFFF  }
0xa7: {  	s26 =	simm.s32 $execute0_lowered;
	[smem:$0x3FD2] =	sst s25  }
0xa8: {  	s6 =	sshll.u32 s26, $0x1;
	_ =	strace $0x80000046;
	[dreg:$0x1] =	wrdreg $0xFFFFFFFF  }
0xa9: {  	s28 =	simm.s32 $_size_execute0_lowered;
	s5 =	sadd.s32 s5, s6;
	[dreg:$0x0] =	wrdreg $0x0  }
0xaa: {  	s6 =	sshll.u32 s28, $0x1;
	[dreg:$0x2] =	wrdreg s5  }
0xab: {  	[dreg:$0x3] =	wrdreg s6  }
0xac: {  	[dreg:$0x4] =	wrdreg $0xC0  }
0xad: {  	_ =	task [dreg:s9], $0x5FFFF  }
0xae: {  	[dreg:$0x1] =	wrdreg $0xFFFFFFFF  }
0xaf: {  	[dreg:$0x0] =	wrdreg $0x60  }
0xb0: {  	[dreg:$0x2] =	wrdreg s2  }
0xb1: {  	[dreg:$0x3] =	wrdreg s19  }
0xb2: {  	[dreg:$0x4] =	wrdreg s4  }
0xb3: {  	[dreg:$0x5] =	wrdreg $0x9  }
0xb4: {  	_ =	task.clear_ibuf [dreg:s9], $0x6FFFF;
	_ =	strace $0x90000046  }
0xb5: {  	s29 =	simm.s32 $0x9;
	_ =	strace $0x80000048  }
0xb6: {  	_ =	swait.ge [sflag:s29], $0x1  }
0xb7: {  	[sflag:s29] =	ssyncadd.s32 $0xFFFFFFFF  }
0xb8: {  	_ =	strace $0x90000048  }
0xb9: {  	_ =	sfence  }
0xba: {  	s30 =	sld [smem:$0x0];
	_ =	sdelay $0x2  }
0xbb: {  	s31 =	sshll.u32 s1, $0xD;
	s1 =	sshrl.u32 s1, $0x2  }
0xbc: {  	s3 =	sand.u32 $0x4000, s31;
	s1 =	sadd.s32 s1, s30  }
0xbd: {  	s0 =	sor.u32 s3, s0;
	s1 =	sshll.u32 s1, $0x11  }
0xbe: {  	s0 =	sor.u32 s1, s0  }
0xbf: {  	s0 =	sadd.s32 $0x8F2B, s0  }
0xc0: {  	[sflag:s0] =	ssyncadd.remote.s32 $0x1  }
0xc1: {  	_ =	sfence.sel $0xFFFF  }
0xc2: {  	[dreg:$0x0] =	wrdreg $0xFFFFFFFF;
	(pc) =	sbr.abs _section_cstart, $3  }
0xc3: {  	[dreg:$0x1] =	wrdreg $0xFFFFFFFF  }
0xc4: {  	_ =	task.clear_ibuf [dreg:s9], $0x2FFFF;
	_ =	strace $0x9FFFFFFF  }
0xc5: {  	(tm) =	ssettm $0x7FFFFFFF  }
tec
execute0_lowered:
.L_overlay_start_1:
0x0: {  	(tag) =	ssettag $0x1  }
0x1: {  	s2 =	rddreg [dreg:$0x0]  }
0x2: {  	s6 =	rddreg [dreg:$0x1]  }
0x3: {  	s4 =	rddreg [dreg:$0x2]  }
0x4: {  	s0 =	rddreg [dreg:$0x3];
	s1 =	stileid.u32  }
0x5: {  	s5 =	srdreg.scid;
	s7 =	smul.u32 $0x4E200, s1  }
0x6: {  	s3 =	simm.s32 $0x0;
	s5 =	sand.u32 $0x1, s5;
	s8 =	smul.u32 $0x4E20, s1  }
0x7: {  	[smem:$0x7FF] =	sst s3;
	s9 =	ssub.s32 $0x2, s5;
	s10 =	smul.u32 $0x2710, s5  }
0x8: {  	_ =	strace $0x80000047;
	s5 =	smul.u32 $0x27100, s5;
	s11 =	sshrl.u32 s9, $0x1  }
0x9: {  	s7 =	sadd.s32 s7, s4;
	s9 =	ssub.s32 s9, s11;
	s8 =	sadd.s32 s10, s8  }
0xa: {  	s5 =	sadd.s32 s5, s7;
	s7 =	simm.s32 $0x2;
	s10 =	simm.s32 $0x1  }
0xb: {  	s11 =	simm.s32 $0x0;
	s4 =	smax.u32 s9, $0x1;
	s31 =	sshrl.u32 s8, $0x3  }
0xc: {  	s8 =	simm.s32 $0x28;
	s9 =	simm.s32 $0x80;
	s6 =	sadd.s32 s31, s6  }
.LBB2_1:
0xd: {  	s12 =	sadd.s32 $0x0, s6  }
0xe: {  	[tilespmem:s3], [sflag:$0x2] =	stream.linear.gather [hbm4b:s12+s3], $0x28, $0x38;
	[tilespmem:$0x1480] =	vst v63  }
0xf: {  	_ =	swait.ge [sflag:s7], $0x28  }
0x10: {  	[sflag:s7] =	ssyncset.done $0x0  }
0x11: {  	[sflag:s7] =	ssyncadd.s32 $0xFFFFFFD8  }
0x12: {  	[tilespmem:s9], [sflag:$0x1] =	stream.indirect.gather [hbm4b:s2+s8], $0x80, s3, s8, $0xb8;
	[tilespmem:$0x1480] =	vst v63  }
0x13: {  	_ =	swait.ge [sflag:s10], $0x1400  }
0x14: {  	[sflag:s10] =	ssyncset.done $0x0  }
0x15: {  	[sflag:s10] =	ssyncadd.s32 $0xFFFFEC00  }
0x16: {  	[hbm4b:s5+s3] =	stream.linear.scatter [tilespmem:s9], [sflag:$0x2], $0x1400, $0x38;
	[tilespmem:$0x1480] =	vst v63  }
0x17: {  	s13 =	simm.s32 $0x5;
	_ =	swait.ge [sflag:s7], $0x1400  }
0x18: {  	s14 =	simm.s32 $0xA;
	s12 =	sadd.s32 $0x280, s5;
	[sflag:s7] =	ssyncset.done $0x0  }
.LBB2_2:
0x19: {  	s15 =	sadd.s32 s13, s6  }
0x1a: {  	[sflag:s7] =	ssyncadd.s32 $0xFFFFEC00;
	s13 =	smov.u32 s14;
	s16 =	sadd.s32 $0x5, s14  }
0x1b: {  	[tilespmem:s3], [sflag:$0x2] =	stream.linear.gather [hbm4b:s15+s3], $0x28, $0x38;
	[tilespmem:$0x1480] =	vst v63  }
0x1c: {  	p0 =	sne.s32 s14, $0x4DD;
	_ =	swait.ge [sflag:s7], $0x28  }
0x1d: {  	[sflag:s7] =	ssyncset.done $0x0  }
0x1e: {  	[sflag:s7] =	ssyncadd.s32 $0xFFFFFFD8  }
0x1f: {  	[tilespmem:s9], [sflag:$0x1] =	stream.indirect.gather [hbm4b:s2+s8], $0x80, s3, s8, $0xb8;
	[tilespmem:$0x1480] =	vst v63  }
0x20: {  	_ =	swait.ge [sflag:s10], $0x1400  }
.Ltmp0:
0x21: {  	[sflag:s10] =	ssyncset.done $0x0;
	(pc) =	sbr.rel @p0 .LBB2_2-.Ltmp0, $4  }
0x22: {  	[sflag:s10] =	ssyncadd.s32 $0xFFFFEC00  }
0x23: {  	[hbm4b:s12+s3] =	stream.linear.scatter [tilespmem:s9], [sflag:$0x2], $0x1400, $0x38;
	[tilespmem:$0x1480] =	vst v63  }
0x24: {  	_ =	swait.ge [sflag:s7], $0x1400  }
0x25: {  	s14 =	smov.u32 s16;
	s12 =	sadd.s32 $0x280, s12;
	[sflag:s7] =	ssyncset.done $0x0  }
0x26: {  	s13 =	sadd.s32 s13, s6;
	[sflag:s7] =	ssyncadd.s32 $0xFFFFEC00  }
0x27: {  	[tilespmem:s3], [sflag:$0x2] =	stream.linear.gather [hbm4b:s13+s3], $0x28, $0x38;
	[tilespmem:$0x1480] =	vst v63  }
0x28: {  	_ =	swait.ge [sflag:s7], $0x28  }
0x29: {  	[sflag:s7] =	ssyncset.done $0x0  }
0x2a: {  	[sflag:s7] =	ssyncadd.s32 $0xFFFFFFD8  }
0x2b: {  	[tilespmem:s9], [sflag:$0x1] =	stream.indirect.gather [hbm4b:s2+s8], $0x80, s3, s8, $0xb8;
	[tilespmem:$0x1480] =	vst v63  }
0x2c: {  	s11 =	sadd.s32 $0x1, s11;
	_ =	swait.ge [sflag:s10], $0x1400  }
0x2d: {  	p0 =	sne.s32 s11, s4;
	[sflag:s10] =	ssyncset.done $0x0  }
.Ltmp1:
0x2e: {  	[sflag:s10] =	ssyncadd.s32 $0xFFFFEC00;
	(pc) =	sbr.rel @p0 .LBB2_1-.Ltmp1, $4  }
0x2f: {  	[hbm4b:s12+s3] =	stream.linear.scatter [tilespmem:s9], [sflag:$0x2], $0x1400, $0x38;
	[tilespmem:$0x1480] =	vst v63  }
0x30: {  	_ =	swait.ge [sflag:s7], $0x1400  }
0x31: {  	[sflag:s7] =	ssyncset.done $0x0  }
0x32: {  	[sflag:s7] =	ssyncadd.s32 $0xFFFFEC00  }
0x33: {  	_ =	sfence.sel $0x180000  }
0x34: {  	[bflag:$0x0] =	sbarrier.arrive $0xFFFF  }
0x35: {  	p0 =	sne.s32 s1, $0x0;
	_ =	strace $0x90000047  }
0x36: {  	s0 =	sadd.s32 @!p0 $0x100000, s0;
	[bflag:$0x2] =	sbarrier.arrive $0xFFFF  }
0x37: {  	[sflag:s0] =	ssyncadd.tile.s32 @!p0 $0x1;
	_ =	shalt  }
.Lfunc_end2:
_tile_overlayer_lowered:
.L_overlay_start_2:
0x38: {  	(tag) =	ssettag $0x2  }
0x39: {  	s0 =	rddreg [dreg:$0x0];
	s2 =	stileid.u32  }
0x3a: {  	s1 =	rddreg [dreg:$0x1];
	p0 =	sne.s32 s2, $0x0  }
0x3b: {  	s3 =	rddreg [dreg:$0x2];
	[bflag:$0x3] =	sbarrier.arrive $0xFFFF;
	s2 =	simm.s32 @!p0 $0x1C02  }
0x3c: {  	[timem:s3], [sflag:s2] =	dma.local @!p0 [hbm:s0], s1  }
0x3d: {  	s0 =	simm.s32 @!p0 $0x2  }
0x3e: {  	_ =	swait.ge @!p0 [sflag:s0], s1  }
0x3f: {  	s1 =	ssub.s32 @!p0 $0x0, s1;
	[sflag:s0] =	ssyncset.done @!p0 $0x0  }
0x40: {  	[sflag:s0] =	ssyncadd.s32 @!p0 s1  }
0x41: {  	[bflag:$0x3] =	sbarrier.arrive $0xFFFF  }
0x42: {  	_ =	shalt  }

</sc_bundles>
